<compile_context>
chip_gen: v7x
topology: tpu7x:2x2x1
jax: 0.10.2.dev20260603
libtpu: 0.0.44.dev20260713+nightly
codegen_flags: <defaults>
</compile_context>

<pallas_src>
import functools

import jax
import jax.numpy as jnp
from jax import lax
from jax.experimental import pallas as pl
from jax.experimental.pallas import tpu as pltpu
from jax.experimental.pallas import tpu_sc as plsc

NS = 4
NC = 1024
SD = 128
TOKENS = 9216
TBLK = 3072

_NUM_CORES = 2
_NUM_SUBCORES = 16
_NW = _NUM_CORES * _NUM_SUBCORES
_B = TOKENS * NS


def _dist_body(x_ref, cb_ref, nn_ref, nng_ref, loss_ref):
    x = x_ref[...]
    acc = jnp.zeros((TBLK,), jnp.float32)
    for s in range(NS):
        xs = x[:, s * SD:(s + 1) * SD]
        cbs = cb_ref[s]
        cb2 = cbs + cbs
        mm2 = lax.dot_general(xs, cb2, (((1,), (1,)), ((), ())),
                              preferred_element_type=jnp.float32)
        xn = jnp.sum(xs * xs, axis=1)
        cn = jnp.sum(cbs * cbs, axis=1)
        d = (xn[:, None] - mm2) + cn[None, :]
        m = jnp.min(d, axis=1)
        fiota = lax.broadcasted_iota(jnp.int32, d.shape, 1).astype(jnp.float32)
        key = (d - m[:, None]) * jnp.float32(3e38) + fiota
        idx = jnp.min(key, axis=1).astype(jnp.int32)
        nn_ref[s, :] = idx
        nng_ref[s, :] = idx + jnp.int32(s * NC)
        acc = acc + m
    loss_ref[0, :] = acc * (1.0 / (NS * SD))


def _distances(flat, codebooks, ntok):
    grid = (ntok // TBLK,)
    return pl.pallas_call(
        _dist_body,
        grid=grid,
        in_specs=[
            pl.BlockSpec((TBLK, NS * SD), lambda i: (i, 0)),
            pl.BlockSpec((NS, NC, SD), lambda i: (0, 0, 0)),
        ],
        out_specs=[
            pl.BlockSpec((NS, TBLK), lambda i: (0, i)),
            pl.BlockSpec((NS, TBLK), lambda i: (0, i)),
            pl.BlockSpec((1, TBLK), lambda i: (0, i)),
        ],
        out_shape=[
            jax.ShapeDtypeStruct((NS, ntok), jnp.int32),
            jax.ShapeDtypeStruct((NS, ntok), jnp.int32),
            jax.ShapeDtypeStruct((1, ntok), jnp.float32),
        ],
    )(flat, codebooks)


@functools.cache
def _make_sc_gather(ntok):
    t_per_w = ntok // _NW
    mesh = plsc.VectorSubcoreMesh(core_axis_name="c", subcore_axis_name="s")

    @functools.partial(
        pl.kernel,
        mesh=mesh,
        out_type=jax.ShapeDtypeStruct((ntok, NS, SD), jnp.float32),
        scratch_types=[
            pltpu.VMEM((t_per_w,), jnp.int32),
            pltpu.VMEM((t_per_w,), jnp.int32),
            pltpu.VMEM((t_per_w,), jnp.int32),
            pltpu.VMEM((t_per_w,), jnp.int32),
            pltpu.VMEM((t_per_w, 1, SD), jnp.float32),
            pltpu.VMEM((t_per_w, 1, SD), jnp.float32),
            pltpu.SemaphoreType.DMA,
            pltpu.SemaphoreType.DMA,
        ],
    )
    def _sc_gather(table_hbm, nng_hbm, out_hbm, gidx0, gidx1, gidx2, gidx3,
                   buf0, buf1, sem0, sem1):
        gidx = (gidx0, gidx1, gidx2, gidx3)
        wid = lax.axis_index("s") * _NUM_CORES + lax.axis_index("c")
        t0 = wid * t_per_w
        for s in range(NS):
            pltpu.sync_copy(nng_hbm.at[pl.ds(s * ntok + t0, t_per_w)],
                            gidx[s])
        bufs = (buf0, buf1)
        sems = (sem0, sem1)
        handles = [None, None]
        for s in range(NS):
            handles[s % 2] = pltpu.async_copy(
                table_hbm.at[gidx[s]], bufs[s % 2], sems[s % 2])
            if s >= 1:
                handles[(s - 1) % 2].wait()
                pltpu.sync_copy(
                    bufs[(s - 1) % 2],
                    out_hbm.at[pl.ds(t0, t_per_w), pl.ds(s - 1, 1)])
        handles[(NS - 1) % 2].wait()
        pltpu.sync_copy(bufs[(NS - 1) % 2],
                        out_hbm.at[pl.ds(t0, t_per_w), pl.ds(NS - 1, 1)])

    return _sc_gather


def kernel(inputs, codebooks, train):
    flat = jnp.reshape(inputs, (-1, NS * SD))
    table = jnp.reshape(codebooks, (NS * NC, 1, SD))
    nn, nng, loss = _distances(flat, codebooks, TOKENS)
    nng_flat = jnp.reshape(nng, (_B,))
    gathered = _make_sc_gather(TOKENS)(table, nng_flat)
    quantized = jnp.reshape(gathered, inputs.shape)
    qloss = jnp.reshape(loss, inputs.shape[:-1] + (1,))
    nn_out = jnp.reshape(nn, (NS,) + inputs.shape[:-1])
    codebook = jnp.reshape(codebooks, (NS * NC, SD))
    return quantized, qloss, nn_out, codebook

# --- scband reference (transcript-rebuilt; emitter-appended) ---
"""Pipeline reference for scband-product-quantizer-47880295416498 (READ-ONLY COPY).

The authoritative reference and input builder live on the scoring server;
editing this copy changes nothing except your own understanding.
"""

import jax, jax.numpy as jnp
import numpy as np

NUM_SECTIONS = 4
NUM_CENTROIDS = 1024
COMMITMENT = 0.0


def setup_inputs(seed: int = 0) -> dict:
    key = jax.random.key(seed)
    k1, k2 = jax.random.split(key)
    inputs = jax.random.normal(k1, (16, 576, 512), dtype=jnp.float32)
    sec_dim = 512 // NUM_SECTIONS
    # variance_scaling(0.1, 'fan_avg', 'normal') init per BaseQuantizer.create_codebook
    fan_avg = (NUM_CENTROIDS + sec_dim) / 2.0
    std = float(np.sqrt(0.1 / fan_avg))
    codebooks = jax.random.normal(k2, (NUM_SECTIONS, NUM_CENTROIDS, sec_dim), dtype=jnp.float32) * std
    return {"inputs": inputs, "codebooks": codebooks, "train": 0}


def _quantize_section(flat, codebook):
    # squared L2 distances to centroids
    d = (jnp.sum(flat ** 2, axis=1, keepdims=True)
         - 2.0 * jnp.matmul(flat, codebook.T)
         + jnp.sum(codebook ** 2, axis=1)[None, :])
    nn_idx = jnp.argmin(d, axis=1)
    encodings = jax.nn.one_hot(nn_idx, codebook.shape[0], dtype=flat.dtype)
    quantized = jnp.matmul(encodings, codebook)
    # per-token quantization loss (codebook loss + commitment loss)
    loss = (jnp.mean(jnp.square(quantized - jax.lax.stop_gradient(flat)), axis=-1, keepdims=True)
            + COMMITMENT * jnp.mean(jnp.square(jax.lax.stop_gradient(quantized) - flat), axis=-1, keepdims=True))
    # straight-through estimator
    quantized = flat + jax.lax.stop_gradient(quantized - flat)
    counts = jnp.sum(encodings, axis=0)
    return quantized, loss, nn_idx, counts


def reference(inputs, codebooks, train=0):
    # ProductQuantizer.__call__ with pca_dim<=0 (no PCA), eval mode (train=False)
    ns = NUM_SECTIONS
    embedding_dim = inputs.shape[-1]
    flat = jnp.reshape(inputs, [-1, embedding_dim])
    sections = jnp.split(flat, ns, axis=-1)
    quantized, loss, nn_idx, counts = [], [], [], []
    for i in range(ns):
        q, l, idx, c = _quantize_section(sections[i], codebooks[i])
        quantized.append(q)
        loss.append(jnp.reshape(l, inputs.shape[:-1] + (-1,)))
        nn_idx.append(idx)
        counts.append(c)
    quantized = jnp.concatenate(quantized, axis=-1)
    quantized = jnp.reshape(quantized, inputs.shape)
    nn_idx = jnp.concatenate(nn_idx, axis=0)
    nn_idx = jnp.reshape(nn_idx, (ns,) + inputs.shape[:-1])
    codebook = jnp.concatenate([codebooks[i] for i in range(ns)], axis=0)
    codebook = jax.lax.stop_gradient(codebook)  # stop_gradient_codes=True
    quantization_loss = jnp.mean(jnp.stack(loss, axis=0), axis=0)
    return quantized, quantization_loss, nn_idx, codebook

if __name__ == "__main__":
    import jax
    _d = setup_inputs()
    print(jax.jit(kernel)(*tuple(_d.values())))

</pallas_src>

<mosaic_0001>
#map = affine_map<(d0, d1) -> (0, 0, 0)>
#map1 = affine_map<(d0, d1) -> (0)>
module attributes {stable_mosaic.version = 14 : i64} {
  func.func @_sc_gather(%arg0: i32, %arg1: i32, %arg2: memref<4096x1x128xf32, #tpu.memory_space<hbm>>, %arg3: memref<36864xi32, #tpu.memory_space<hbm>>, %arg4: memref<9216x4x128xf32, #tpu.memory_space<hbm>>, %arg5: memref<288xi32, #tpu.memory_space<vmem>>, %arg6: memref<288xi32, #tpu.memory_space<vmem>>, %arg7: memref<288xi32, #tpu.memory_space<vmem>>, %arg8: memref<288xi32, #tpu.memory_space<vmem>>, %arg9: memref<288x1x128xf32, #tpu.memory_space<vmem>>, %arg10: memref<288x1x128xf32, #tpu.memory_space<vmem>>, %arg11: memref<!tpu.dma_semaphore, #tpu.memory_space<semaphore_mem>>, %arg12: memref<!tpu.dma_semaphore, #tpu.memory_space<semaphore_mem>>) attributes {dimension_semantics = [#tpu.dimension_semantics<core_parallel>, #tpu.dimension_semantics<subcore_parallel>], iteration_bounds = array<i64: 2, 16>, scalar_prefetch = 0 : i64, scratch_operands = 8 : i64, tpu.core_type = #tpu.core_type<sc_vector_subcore>, window_params = [{transform_indices = #map}, {transform_indices = #map1}, {transform_indices = #map}]} {
    %mul3A = arith.constant 2 : i32
    %mul3A_0 = arith.muli %arg1, %mul3A : i32
    %add3A = arith.addi %mul3A_0, %arg0 : i32
    %mul3A_1 = arith.constant 288 : i32
    %mul3A_2 = arith.muli %add3A, %mul3A_1 : i32
    %add3A_3 = arith.constant 0 : i32
    %add3A_4 = arith.addi %add3A_3, %mul3A_2 : i32
    "tpu.region"() ({
      %run_scoped3A = tpu.sem_alloc : memref<!tpu.dma_semaphore, #tpu.memory_space<semaphore_mem>>
      %dma_start3A_41 = tpu.memref_slice %arg3[%add3A_4] : memref<36864xi32, #tpu.memory_space<hbm>> -> memref<288xi32, #tpu.memory_space<hbm>>
      %dma_start3A_42 = tpu.memref_slice %arg3[%add3A_4] : memref<36864xi32, #tpu.memory_space<hbm>> -> memref<288xi32, #tpu.memory_space<hbm>>
      tpu.enqueue_dma source(%dma_start3A_42 : memref<288xi32, #tpu.memory_space<hbm>>) target(%arg5 : memref<288xi32, #tpu.memory_space<vmem>>) target_semaphore(%run_scoped3A : memref<!tpu.dma_semaphore, #tpu.memory_space<semaphore_mem>>)
      %dma_wait3A_43 = tpu.memref_slice %arg3[%add3A_4] : memref<36864xi32, #tpu.memory_space<hbm>> -> memref<288xi32, #tpu.memory_space<hbm>>
      %dma_wait3A_44 = tpu.memref_slice %arg3[%add3A_4] : memref<36864xi32, #tpu.memory_space<hbm>> -> memref<288xi32, #tpu.memory_space<hbm>>
      tpu.wait_dma2 semaphore(%run_scoped3A : memref<!tpu.dma_semaphore, #tpu.memory_space<semaphore_mem>>) src(%dma_wait3A_44 : memref<288xi32, #tpu.memory_space<hbm>>) dst(%arg5 : memref<288xi32, #tpu.memory_space<vmem>>)
      tpu.yield
    }) : () -> ()
    %add3A_5 = arith.constant 9216 : i32
    %add3A_6 = arith.addi %add3A_5, %mul3A_2 : i32
    "tpu.region"() ({
      %run_scoped3A = tpu.sem_alloc : memref<!tpu.dma_semaphore, #tpu.memory_space<semaphore_mem>>
      %dma_start3A_41 = tpu.memref_slice %arg3[%add3A_6] : memref<36864xi32, #tpu.memory_space<hbm>> -> memref<288xi32, #tpu.memory_space<hbm>>
      %dma_start3A_42 = tpu.memref_slice %arg3[%add3A_6] : memref<36864xi32, #tpu.memory_space<hbm>> -> memref<288xi32, #tpu.memory_space<hbm>>
      tpu.enqueue_dma source(%dma_start3A_42 : memref<288xi32, #tpu.memory_space<hbm>>) target(%arg6 : memref<288xi32, #tpu.memory_space<vmem>>) target_semaphore(%run_scoped3A : memref<!tpu.dma_semaphore, #tpu.memory_space<semaphore_mem>>)
      %dma_wait3A_43 = tpu.memref_slice %arg3[%add3A_6] : memref<36864xi32, #tpu.memory_space<hbm>> -> memref<288xi32, #tpu.memory_space<hbm>>
      %dma_wait3A_44 = tpu.memref_slice %arg3[%add3A_6] : memref<36864xi32, #tpu.memory_space<hbm>> -> memref<288xi32, #tpu.memory_space<hbm>>
      tpu.wait_dma2 semaphore(%run_scoped3A : memref<!tpu.dma_semaphore, #tpu.memory_space<semaphore_mem>>) src(%dma_wait3A_44 : memref<288xi32, #tpu.memory_space<hbm>>) dst(%arg6 : memref<288xi32, #tpu.memory_space<vmem>>)
      tpu.yield
    }) : () -> ()
    %add3A_7 = arith.constant 18432 : i32
    %add3A_8 = arith.addi %add3A_7, %mul3A_2 : i32
    "tpu.region"() ({
      %run_scoped3A = tpu.sem_alloc : memref<!tpu.dma_semaphore, #tpu.memory_space<semaphore_mem>>
      %dma_start3A_41 = tpu.memref_slice %arg3[%add3A_8] : memref<36864xi32, #tpu.memory_space<hbm>> -> memref<288xi32, #tpu.memory_space<hbm>>
      %dma_start3A_42 = tpu.memref_slice %arg3[%add3A_8] : memref<36864xi32, #tpu.memory_space<hbm>> -> memref<288xi32, #tpu.memory_space<hbm>>
      tpu.enqueue_dma source(%dma_start3A_42 : memref<288xi32, #tpu.memory_space<hbm>>) target(%arg7 : memref<288xi32, #tpu.memory_space<vmem>>) target_semaphore(%run_scoped3A : memref<!tpu.dma_semaphore, #tpu.memory_space<semaphore_mem>>)
      %dma_wait3A_43 = tpu.memref_slice %arg3[%add3A_8] : memref<36864xi32, #tpu.memory_space<hbm>> -> memref<288xi32, #tpu.memory_space<hbm>>
      %dma_wait3A_44 = tpu.memref_slice %arg3[%add3A_8] : memref<36864xi32, #tpu.memory_space<hbm>> -> memref<288xi32, #tpu.memory_space<hbm>>
      tpu.wait_dma2 semaphore(%run_scoped3A : memref<!tpu.dma_semaphore, #tpu.memory_space<semaphore_mem>>) src(%dma_wait3A_44 : memref<288xi32, #tpu.memory_space<hbm>>) dst(%arg7 : memref<288xi32, #tpu.memory_space<vmem>>)
      tpu.yield
    }) : () -> ()
    %add3A_9 = arith.constant 27648 : i32
    %add3A_10 = arith.addi %add3A_9, %mul3A_2 : i32
    "tpu.region"() ({
      %run_scoped3A = tpu.sem_alloc : memref<!tpu.dma_semaphore, #tpu.memory_space<semaphore_mem>>
      %dma_start3A_41 = tpu.memref_slice %arg3[%add3A_10] : memref<36864xi32, #tpu.memory_space<hbm>> -> memref<288xi32, #tpu.memory_space<hbm>>
      %dma_start3A_42 = tpu.memref_slice %arg3[%add3A_10] : memref<36864xi32, #tpu.memory_space<hbm>> -> memref<288xi32, #tpu.memory_space<hbm>>
      tpu.enqueue_dma source(%dma_start3A_42 : memref<288xi32, #tpu.memory_space<hbm>>) target(%arg8 : memref<288xi32, #tpu.memory_space<vmem>>) target_semaphore(%run_scoped3A : memref<!tpu.dma_semaphore, #tpu.memory_space<semaphore_mem>>)
      %dma_wait3A_43 = tpu.memref_slice %arg3[%add3A_10] : memref<36864xi32, #tpu.memory_space<hbm>> -> memref<288xi32, #tpu.memory_space<hbm>>
      %dma_wait3A_44 = tpu.memref_slice %arg3[%add3A_10] : memref<36864xi32, #tpu.memory_space<hbm>> -> memref<288xi32, #tpu.memory_space<hbm>>
      tpu.wait_dma2 semaphore(%run_scoped3A : memref<!tpu.dma_semaphore, #tpu.memory_space<semaphore_mem>>) src(%dma_wait3A_44 : memref<288xi32, #tpu.memory_space<hbm>>) dst(%arg8 : memref<288xi32, #tpu.memory_space<vmem>>)
      tpu.yield
    }) : () -> ()
    %dma_start3A = arith.constant 0 : i32
    %dma_start3A_11 = arith.constant 0 : i32
    %dma_start3A_12 = arith.constant 0 : i32
    %dma_start3A_13 = tpu.memref_slice %arg2[%dma_start3A, %dma_start3A_11, %dma_start3A_12] : memref<4096x1x128xf32, #tpu.memory_space<hbm>> -> memref<4096x1x128xf32, #tpu.memory_space<hbm>>
    tpu.enqueue_indirect_dma source(%dma_start3A_13 : memref<4096x1x128xf32, #tpu.memory_space<hbm>>) target(%arg9 : memref<288x1x128xf32, #tpu.memory_space<vmem>>) offsets(%arg5 : memref<288xi32, #tpu.memory_space<vmem>>) semaphore(%arg11 : memref<!tpu.dma_semaphore, #tpu.memory_space<semaphore_mem>>)
    %dma_start3A_14 = arith.constant 0 : i32
    %dma_start3A_15 = arith.constant 0 : i32
    %dma_start3A_16 = arith.constant 0 : i32
    %dma_start3A_17 = tpu.memref_slice %arg2[%dma_start3A_14, %dma_start3A_15, %dma_start3A_16] : memref<4096x1x128xf32, #tpu.memory_space<hbm>> -> memref<4096x1x128xf32, #tpu.memory_space<hbm>>
    tpu.enqueue_indirect_dma source(%dma_start3A_17 : memref<4096x1x128xf32, #tpu.memory_space<hbm>>) target(%arg10 : memref<288x1x128xf32, #tpu.memory_space<vmem>>) offsets(%arg6 : memref<288xi32, #tpu.memory_space<vmem>>) semaphore(%arg12 : memref<!tpu.dma_semaphore, #tpu.memory_space<semaphore_mem>>)
    %dma_wait3A = arith.constant 0 : i32
    %dma_wait3A_18 = arith.constant 0 : i32
    %dma_wait3A_19 = arith.constant 0 : i32
    %dma_wait3A_20 = tpu.memref_slice %arg2[%dma_wait3A, %dma_wait3A_18, %dma_wait3A_19] : memref<4096x1x128xf32, #tpu.memory_space<hbm>> -> memref<4096x1x128xf32, #tpu.memory_space<hbm>>
    tpu.wait_indirect_dma semaphore(%arg11 : memref<!tpu.dma_semaphore, #tpu.memory_space<semaphore_mem>>) src(%dma_wait3A_20 : memref<4096x1x128xf32, #tpu.memory_space<hbm>>) dst(%arg9 : memref<288x1x128xf32, #tpu.memory_space<vmem>>)
    "tpu.region"() ({
      %run_scoped3A = tpu.sem_alloc : memref<!tpu.dma_semaphore, #tpu.memory_space<semaphore_mem>>
      %dma_start3A_41 = arith.constant 0 : i32
      %dma_start3A_42 = arith.constant 0 : i32
      %dma_start3A_43 = tpu.memref_slice %arg4[%mul3A_2, %dma_start3A_41, %dma_start3A_42] : memref<9216x4x128xf32, #tpu.memory_space<hbm>> -> memref<288x1x128xf32, #tpu.memory_space<hbm>>
      %dma_start3A_44 = arith.constant 0 : i32
      %dma_start3A_45 = arith.constant 0 : i32
      %dma_start3A_46 = tpu.memref_slice %arg4[%mul3A_2, %dma_start3A_44, %dma_start3A_45] : memref<9216x4x128xf32, #tpu.memory_space<hbm>> -> memref<288x1x128xf32, #tpu.memory_space<hbm>>
      tpu.enqueue_dma source(%arg9 : memref<288x1x128xf32, #tpu.memory_space<vmem>>) target(%dma_start3A_46 : memref<288x1x128xf32, #tpu.memory_space<hbm>>) target_semaphore(%run_scoped3A : memref<!tpu.dma_semaphore, #tpu.memory_space<semaphore_mem>>)
      %dma_wait3A_47 = arith.constant 0 : i32
      %dma_wait3A_48 = arith.constant 0 : i32
      %dma_wait3A_49 = tpu.memref_slice %arg4[%mul3A_2, %dma_wait3A_47, %dma_wait3A_48] : memref<9216x4x128xf32, #tpu.memory_space<hbm>> -> memref<288x1x128xf32, #tpu.memory_space<hbm>>
      %dma_wait3A_50 = arith.constant 0 : i32
      %dma_wait3A_51 = arith.constant 0 : i32
      %dma_wait3A_52 = tpu.memref_slice %arg4[%mul3A_2, %dma_wait3A_50, %dma_wait3A_51] : memref<9216x4x128xf32, #tpu.memory_space<hbm>> -> memref<288x1x128xf32, #tpu.memory_space<hbm>>
      tpu.wait_dma2 semaphore(%run_scoped3A : memref<!tpu.dma_semaphore, #tpu.memory_space<semaphore_mem>>) src(%arg9 : memref<288x1x128xf32, #tpu.memory_space<vmem>>) dst(%dma_wait3A_52 : memref<288x1x128xf32, #tpu.memory_space<hbm>>)
      tpu.yield
    }) : () -> ()
    %dma_start3A_21 = arith.constant 0 : i32
    %dma_start3A_22 = arith.constant 0 : i32
    %dma_start3A_23 = arith.constant 0 : i32
    %dma_start3A_24 = tpu.memref_slice %arg2[%dma_start3A_21, %dma_start3A_22, %dma_start3A_23] : memref<4096x1x128xf32, #tpu.memory_space<hbm>> -> memref<4096x1x128xf32, #tpu.memory_space<hbm>>
    tpu.enqueue_indirect_dma source(%dma_start3A_24 : memref<4096x1x128xf32, #tpu.memory_space<hbm>>) target(%arg9 : memref<288x1x128xf32, #tpu.memory_space<vmem>>) offsets(%arg7 : memref<288xi32, #tpu.memory_space<vmem>>) semaphore(%arg11 : memref<!tpu.dma_semaphore, #tpu.memory_space<semaphore_mem>>)
    %dma_wait3A_25 = arith.constant 0 : i32
    %dma_wait3A_26 = arith.constant 0 : i32
    %dma_wait3A_27 = arith.constant 0 : i32
    %dma_wait3A_28 = tpu.memref_slice %arg2[%dma_wait3A_25, %dma_wait3A_26, %dma_wait3A_27] : memref<4096x1x128xf32, #tpu.memory_space<hbm>> -> memref<4096x1x128xf32, #tpu.memory_space<hbm>>
    tpu.wait_indirect_dma semaphore(%arg12 : memref<!tpu.dma_semaphore, #tpu.memory_space<semaphore_mem>>) src(%dma_wait3A_28 : memref<4096x1x128xf32, #tpu.memory_space<hbm>>) dst(%arg10 : memref<288x1x128xf32, #tpu.memory_space<vmem>>)
    "tpu.region"() ({
      %run_scoped3A = tpu.sem_alloc : memref<!tpu.dma_semaphore, #tpu.memory_space<semaphore_mem>>
      %dma_start3A_41 = arith.constant 1 : i32
      %dma_start3A_42 = arith.constant 0 : i32
      %dma_start3A_43 = tpu.memref_slice %arg4[%mul3A_2, %dma_start3A_41, %dma_start3A_42] : memref<9216x4x128xf32, #tpu.memory_space<hbm>> -> memref<288x1x128xf32, #tpu.memory_space<hbm>>
      %dma_start3A_44 = arith.constant 1 : i32
      %dma_start3A_45 = arith.constant 0 : i32
      %dma_start3A_46 = tpu.memref_slice %arg4[%mul3A_2, %dma_start3A_44, %dma_start3A_45] : memref<9216x4x128xf32, #tpu.memory_space<hbm>> -> memref<288x1x128xf32, #tpu.memory_space<hbm>>
      tpu.enqueue_dma source(%arg10 : memref<288x1x128xf32, #tpu.memory_space<vmem>>) target(%dma_start3A_46 : memref<288x1x128xf32, #tpu.memory_space<hbm>>) target_semaphore(%run_scoped3A : memref<!tpu.dma_semaphore, #tpu.memory_space<semaphore_mem>>)
      %dma_wait3A_47 = arith.constant 1 : i32
      %dma_wait3A_48 = arith.constant 0 : i32
      %dma_wait3A_49 = tpu.memref_slice %arg4[%mul3A_2, %dma_wait3A_47, %dma_wait3A_48] : memref<9216x4x128xf32, #tpu.memory_space<hbm>> -> memref<288x1x128xf32, #tpu.memory_space<hbm>>
      %dma_wait3A_50 = arith.constant 1 : i32
      %dma_wait3A_51 = arith.constant 0 : i32
      %dma_wait3A_52 = tpu.memref_slice %arg4[%mul3A_2, %dma_wait3A_50, %dma_wait3A_51] : memref<9216x4x128xf32, #tpu.memory_space<hbm>> -> memref<288x1x128xf32, #tpu.memory_space<hbm>>
      tpu.wait_dma2 semaphore(%run_scoped3A : memref<!tpu.dma_semaphore, #tpu.memory_space<semaphore_mem>>) src(%arg10 : memref<288x1x128xf32, #tpu.memory_space<vmem>>) dst(%dma_wait3A_52 : memref<288x1x128xf32, #tpu.memory_space<hbm>>)
      tpu.yield
    }) : () -> ()
    %dma_start3A_29 = arith.constant 0 : i32
    %dma_start3A_30 = arith.constant 0 : i32
    %dma_start3A_31 = arith.constant 0 : i32
    %dma_start3A_32 = tpu.memref_slice %arg2[%dma_start3A_29, %dma_start3A_30, %dma_start3A_31] : memref<4096x1x128xf32, #tpu.memory_space<hbm>> -> memref<4096x1x128xf32, #tpu.memory_space<hbm>>
    tpu.enqueue_indirect_dma source(%dma_start3A_32 : memref<4096x1x128xf32, #tpu.memory_space<hbm>>) target(%arg10 : memref<288x1x128xf32, #tpu.memory_space<vmem>>) offsets(%arg8 : memref<288xi32, #tpu.memory_space<vmem>>) semaphore(%arg12 : memref<!tpu.dma_semaphore, #tpu.memory_space<semaphore_mem>>)
    %dma_wait3A_33 = arith.constant 0 : i32
    %dma_wait3A_34 = arith.constant 0 : i32
    %dma_wait3A_35 = arith.constant 0 : i32
    %dma_wait3A_36 = tpu.memref_slice %arg2[%dma_wait3A_33, %dma_wait3A_34, %dma_wait3A_35] : memref<4096x1x128xf32, #tpu.memory_space<hbm>> -> memref<4096x1x128xf32, #tpu.memory_space<hbm>>
    tpu.wait_indirect_dma semaphore(%arg11 : memref<!tpu.dma_semaphore, #tpu.memory_space<semaphore_mem>>) src(%dma_wait3A_36 : memref<4096x1x128xf32, #tpu.memory_space<hbm>>) dst(%arg9 : memref<288x1x128xf32, #tpu.memory_space<vmem>>)
    "tpu.region"() ({
      %run_scoped3A = tpu.sem_alloc : memref<!tpu.dma_semaphore, #tpu.memory_space<semaphore_mem>>
      %dma_start3A_41 = arith.constant 2 : i32
      %dma_start3A_42 = arith.constant 0 : i32
      %dma_start3A_43 = tpu.memref_slice %arg4[%mul3A_2, %dma_start3A_41, %dma_start3A_42] : memref<9216x4x128xf32, #tpu.memory_space<hbm>> -> memref<288x1x128xf32, #tpu.memory_space<hbm>>
      %dma_start3A_44 = arith.constant 2 : i32
      %dma_start3A_45 = arith.constant 0 : i32
      %dma_start3A_46 = tpu.memref_slice %arg4[%mul3A_2, %dma_start3A_44, %dma_start3A_45] : memref<9216x4x128xf32, #tpu.memory_space<hbm>> -> memref<288x1x128xf32, #tpu.memory_space<hbm>>
      tpu.enqueue_dma source(%arg9 : memref<288x1x128xf32, #tpu.memory_space<vmem>>) target(%dma_start3A_46 : memref<288x1x128xf32, #tpu.memory_space<hbm>>) target_semaphore(%run_scoped3A : memref<!tpu.dma_semaphore, #tpu.memory_space<semaphore_mem>>)
      %dma_wait3A_47 = arith.constant 2 : i32
      %dma_wait3A_48 = arith.constant 0 : i32
      %dma_wait3A_49 = tpu.memref_slice %arg4[%mul3A_2, %dma_wait3A_47, %dma_wait3A_48] : memref<9216x4x128xf32, #tpu.memory_space<hbm>> -> memref<288x1x128xf32, #tpu.memory_space<hbm>>
      %dma_wait3A_50 = arith.constant 2 : i32
      %dma_wait3A_51 = arith.constant 0 : i32
      %dma_wait3A_52 = tpu.memref_slice %arg4[%mul3A_2, %dma_wait3A_50, %dma_wait3A_51] : memref<9216x4x128xf32, #tpu.memory_space<hbm>> -> memref<288x1x128xf32, #tpu.memory_space<hbm>>
      tpu.wait_dma2 semaphore(%run_scoped3A : memref<!tpu.dma_semaphore, #tpu.memory_space<semaphore_mem>>) src(%arg9 : memref<288x1x128xf32, #tpu.memory_space<vmem>>) dst(%dma_wait3A_52 : memref<288x1x128xf32, #tpu.memory_space<hbm>>)
      tpu.yield
    }) : () -> ()
    %dma_wait3A_37 = arith.constant 0 : i32
    %dma_wait3A_38 = arith.constant 0 : i32
    %dma_wait3A_39 = arith.constant 0 : i32
    %dma_wait3A_40 = tpu.memref_slice %arg2[%dma_wait3A_37, %dma_wait3A_38, %dma_wait3A_39] : memref<4096x1x128xf32, #tpu.memory_space<hbm>> -> memref<4096x1x128xf32, #tpu.memory_space<hbm>>
    tpu.wait_indirect_dma semaphore(%arg12 : memref<!tpu.dma_semaphore, #tpu.memory_space<semaphore_mem>>) src(%dma_wait3A_40 : memref<4096x1x128xf32, #tpu.memory_space<hbm>>) dst(%arg10 : memref<288x1x128xf32, #tpu.memory_space<vmem>>)
    "tpu.region"() ({
      %run_scoped3A = tpu.sem_alloc : memref<!tpu.dma_semaphore, #tpu.memory_space<semaphore_mem>>
      %dma_start3A_41 = arith.constant 3 : i32
      %dma_start3A_42 = arith.constant 0 : i32
      %dma_start3A_43 = tpu.memref_slice %arg4[%mul3A_2, %dma_start3A_41, %dma_start3A_42] : memref<9216x4x128xf32, #tpu.memory_space<hbm>> -> memref<288x1x128xf32, #tpu.memory_space<hbm>>
      %dma_start3A_44 = arith.constant 3 : i32
      %dma_start3A_45 = arith.constant 0 : i32
      %dma_start3A_46 = tpu.memref_slice %arg4[%mul3A_2, %dma_start3A_44, %dma_start3A_45] : memref<9216x4x128xf32, #tpu.memory_space<hbm>> -> memref<288x1x128xf32, #tpu.memory_space<hbm>>
      tpu.enqueue_dma source(%arg10 : memref<288x1x128xf32, #tpu.memory_space<vmem>>) target(%dma_start3A_46 : memref<288x1x128xf32, #tpu.memory_space<hbm>>) target_semaphore(%run_scoped3A : memref<!tpu.dma_semaphore, #tpu.memory_space<semaphore_mem>>)
      %dma_wait3A_47 = arith.constant 3 : i32
      %dma_wait3A_48 = arith.constant 0 : i32
      %dma_wait3A_49 = tpu.memref_slice %arg4[%mul3A_2, %dma_wait3A_47, %dma_wait3A_48] : memref<9216x4x128xf32, #tpu.memory_space<hbm>> -> memref<288x1x128xf32, #tpu.memory_space<hbm>>
      %dma_wait3A_50 = arith.constant 3 : i32
      %dma_wait3A_51 = arith.constant 0 : i32
      %dma_wait3A_52 = tpu.memref_slice %arg4[%mul3A_2, %dma_wait3A_50, %dma_wait3A_51] : memref<9216x4x128xf32, #tpu.memory_space<hbm>> -> memref<288x1x128xf32, #tpu.memory_space<hbm>>
      tpu.wait_dma2 semaphore(%run_scoped3A : memref<!tpu.dma_semaphore, #tpu.memory_space<semaphore_mem>>) src(%arg10 : memref<288x1x128xf32, #tpu.memory_space<vmem>>) dst(%dma_wait3A_52 : memref<288x1x128xf32, #tpu.memory_space<hbm>>)
      tpu.yield
    }) : () -> ()
    return
  }
}

module attributes {stable_mosaic.version = 14 : i64} {
  func.func @_dist_body(%arg0: i32, %arg1: memref<3072x512xf32, #tpu.memory_space<vmem>>, %arg2: memref<4x1024x128xf32, #tpu.memory_space<vmem>>, %arg3: memref<4x3072xi32, #tpu.memory_space<vmem>>, %arg4: memref<4x3072xi32, #tpu.memory_space<vmem>>, %arg5: memref<1x3072xf32, #tpu.memory_space<vmem>>) attributes {dimension_semantics = [#tpu.dimension_semantics<arbitrary>], iteration_bounds = array<i64: 3>, scalar_prefetch = 0 : i64, scratch_operands = 0 : i64, tpu.core_type = #tpu.core_type<tc>, window_params = [{transform_indices = @transform_0, window_bounds = array<i64: 3072, 512>}, {pipeline_mode = #tpu.pipeline_mode<synchronous>, transform_indices = @transform_1, window_bounds = array<i64: 4, 1024, 128>}, {transform_indices = @transform_2, window_bounds = array<i64: 4, 3072>}, {transform_indices = @transform_3, window_bounds = array<i64: 4, 3072>}, {transform_indices = @transform_4, window_bounds = array<i64: 1, 3072>}]} {
    %get3A = arith.constant 0 : index
    %get3A_0 = arith.constant 0 : index
    %get3A_1 = vector.load %arg1[%get3A, %get3A_0] : memref<3072x512xf32, #tpu.memory_space<vmem>>, vector<3072x512xf32>
    %broadcast_in_dim3A = arith.constant 0.000000e+00 : f32
    %broadcast_in_dim3A_2 = vector.broadcast %broadcast_in_dim3A : f32 to vector<3072xf32>
    %slice3A = vector.extract_strided_slice %get3A_1 {offsets = [0, 0], sizes = [3072, 128], strides = [1, 1]} : vector<3072x512xf32> to vector<3072x128xf32>
    %get3A_3 = arith.constant 0 : index
    %get3A_4 = arith.constant 0 : index
    %get3A_5 = arith.constant 0 : index
    %get3A_6 = vector.load %arg2[%get3A_3, %get3A_4, %get3A_5] : memref<4x1024x128xf32, #tpu.memory_space<vmem>>, vector<1x1024x128xf32>
    %get3A_7 = vector.shape_cast %get3A_6 : vector<1x1024x128xf32> to vector<1024x128xf32>
    %add3A = arith.addf %get3A_7, %get3A_7 : vector<1024x128xf32>
    %dot_general3A = arith.constant dense<0.000000e+00> : vector<3072x1024xf32>
    %dot_general3A_8 = tpu.matmul %slice3A, %add3A, %dot_general3A {dimension_numbers = #tpu.dot_dimension_numbers<[1], [1], [0], [0], [0, 0, 1, 0], [], []>, transpose_lhs_hint = false} : vector<3072x128xf32>, vector<1024x128xf32>, vector<3072x1024xf32> -> vector<3072x1024xf32>
    %mul3A = arith.mulf %slice3A, %slice3A : vector<3072x128xf32>
    %reduce_sum3A = arith.constant dense<0.000000e+00> : vector<3072xf32>
    %reduce_sum3A_9 = vector.multi_reduction <add>, %mul3A, %reduce_sum3A [1] : vector<3072x128xf32> to vector<3072xf32>
    %mul3A_10 = arith.mulf %get3A_7, %get3A_7 : vector<1024x128xf32>
    %reduce_sum3A_11 = arith.constant dense<0.000000e+00> : vector<1024xf32>
    %reduce_sum3A_12 = vector.multi_reduction <add>, %mul3A_10, %reduce_sum3A_11 [1] : vector<1024x128xf32> to vector<1024xf32>
    %broadcast_in_dim3A_13 = vector.shape_cast %reduce_sum3A_9 : vector<3072xf32> to vector<3072x1xf32>
    %sub3A = vector.broadcast %broadcast_in_dim3A_13 : vector<3072x1xf32> to vector<3072x1024xf32>
    %sub3A_14 = arith.subf %sub3A, %dot_general3A_8 : vector<3072x1024xf32>
    %broadcast_in_dim3A_15 = vector.shape_cast %reduce_sum3A_12 : vector<1024xf32> to vector<1x1024xf32>
    %add3A_16 = vector.broadcast %broadcast_in_dim3A_15 : vector<1x1024xf32> to vector<3072x1024xf32>
    %add3A_17 = arith.addf %sub3A_14, %add3A_16 : vector<3072x1024xf32>
    %reduce_min3A = arith.constant dense<0x7F800000> : vector<3072xf32>
    %reduce_min3A_18 = vector.multi_reduction <minimumf>, %add3A_17, %reduce_min3A [1] : vector<3072x1024xf32> to vector<3072xf32>
    %iota3A = tpu.iota {dimensions = array<i32: 1>} : vector<3072x1024xi32>
    %convert_element_type3A = arith.sitofp %iota3A : vector<3072x1024xi32> to vector<3072x1024xf32>
    %broadcast_in_dim3A_19 = vector.shape_cast %reduce_min3A_18 : vector<3072xf32> to vector<3072x1xf32>
    %sub3A_20 = vector.broadcast %broadcast_in_dim3A_19 : vector<3072x1xf32> to vector<3072x1024xf32>
    %sub3A_21 = arith.subf %add3A_17, %sub3A_20 : vector<3072x1024xf32>
    %mul3A_22 = arith.constant 3.000000e+38 : f32
    %mul3A_23 = vector.broadcast %mul3A_22 : f32 to vector<3072x1024xf32>
    %mul3A_24 = arith.mulf %sub3A_21, %mul3A_23 : vector<3072x1024xf32>
    %add3A_25 = arith.addf %mul3A_24, %convert_element_type3A : vector<3072x1024xf32>
    %reduce_min3A_26 = arith.constant dense<0x7F800000> : vector<3072xf32>
    %reduce_min3A_27 = vector.multi_reduction <minimumf>, %add3A_25, %reduce_min3A_26 [1] : vector<3072x1024xf32> to vector<3072xf32>
    %convert_element_type3A_28 = arith.fptosi %reduce_min3A_27 : vector<3072xf32> to vector<3072xi32>
    %swap3A = arith.constant 0 : index
    %swap3A_29 = arith.constant 0 : index
    %swap3A_30 = vector.load %arg3[%swap3A, %swap3A_29] : memref<4x3072xi32, #tpu.memory_space<vmem>>, vector<1x3072xi32>
    %swap3A_31 = vector.shape_cast %swap3A_30 : vector<1x3072xi32> to vector<3072xi32>
    %swap3A_32 = vector.shape_cast %convert_element_type3A_28 : vector<3072xi32> to vector<1x3072xi32>
    tpu.vector_store %arg3[%swap3A, %swap3A_29], %swap3A_32 {strides = array<i32>} : memref<4x3072xi32, #tpu.memory_space<vmem>>, vector<1x3072xi32>,
    %add3A_33 = arith.constant 0 : i32
    %add3A_34 = vector.broadcast %add3A_33 : i32 to vector<3072xi32>
    %add3A_35 = arith.addi %convert_element_type3A_28, %add3A_34 : vector<3072xi32>
    %swap3A_36 = arith.constant 0 : index
    %swap3A_37 = arith.constant 0 : index
    %swap3A_38 = vector.load %arg4[%swap3A_36, %swap3A_37] : memref<4x3072xi32, #tpu.memory_space<vmem>>, vector<1x3072xi32>
    %swap3A_39 = vector.shape_cast %swap3A_38 : vector<1x3072xi32> to vector<3072xi32>
    %swap3A_40 = vector.shape_cast %add3A_35 : vector<3072xi32> to vector<1x3072xi32>
    tpu.vector_store %arg4[%swap3A_36, %swap3A_37], %swap3A_40 {strides = array<i32>} : memref<4x3072xi32, #tpu.memory_space<vmem>>, vector<1x3072xi32>,
    %add3A_41 = arith.addf %broadcast_in_dim3A_2, %reduce_min3A_18 : vector<3072xf32>
    %slice3A_42 = vector.extract_strided_slice %get3A_1 {offsets = [0, 128], sizes = [3072, 128], strides = [1, 1]} : vector<3072x512xf32> to vector<3072x128xf32>
    %get3A_43 = arith.constant 1 : index
    %get3A_44 = arith.constant 0 : index
    %get3A_45 = arith.constant 0 : index
    %get3A_46 = vector.load %arg2[%get3A_43, %get3A_44, %get3A_45] : memref<4x1024x128xf32, #tpu.memory_space<vmem>>, vector<1x1024x128xf32>
    %get3A_47 = vector.shape_cast %get3A_46 : vector<1x1024x128xf32> to vector<1024x128xf32>
    %add3A_48 = arith.addf %get3A_47, %get3A_47 : vector<1024x128xf32>
    %dot_general3A_49 = arith.constant dense<0.000000e+00> : vector<3072x1024xf32>
    %dot_general3A_50 = tpu.matmul %slice3A_42, %add3A_48, %dot_general3A_49 {dimension_numbers = #tpu.dot_dimension_numbers<[1], [1], [0], [0], [0, 0, 1, 0], [], []>, transpose_lhs_hint = false} : vector<3072x128xf32>, vector<1024x128xf32>, vector<3072x1024xf32> -> vector<3072x1024xf32>
    %mul3A_51 = arith.mulf %slice3A_42, %slice3A_42 : vector<3072x128xf32>
    %reduce_sum3A_52 = arith.constant dense<0.000000e+00> : vector<3072xf32>
    %reduce_sum3A_53 = vector.multi_reduction <add>, %mul3A_51, %reduce_sum3A_52 [1] : vector<3072x128xf32> to vector<3072xf32>
    %mul3A_54 = arith.mulf %get3A_47, %get3A_47 : vector<1024x128xf32>
    %reduce_sum3A_55 = arith.constant dense<0.000000e+00> : vector<1024xf32>
    %reduce_sum3A_56 = vector.multi_reduction <add>, %mul3A_54, %reduce_sum3A_55 [1] : vector<1024x128xf32> to vector<1024xf32>
    %broadcast_in_dim3A_57 = vector.shape_cast %reduce_sum3A_53 : vector<3072xf32> to vector<3072x1xf32>
    %sub3A_58 = vector.broadcast %broadcast_in_dim3A_57 : vector<3072x1xf32> to vector<3072x1024xf32>
    %sub3A_59 = arith.subf %sub3A_58, %dot_general3A_50 : vector<3072x1024xf32>
    %broadcast_in_dim3A_60 = vector.shape_cast %reduce_sum3A_56 : vector<1024xf32> to vector<1x1024xf32>
    %add3A_61 = vector.broadcast %broadcast_in_dim3A_60 : vector<1x1024xf32> to vector<3072x1024xf32>
    %add3A_62 = arith.addf %sub3A_59, %add3A_61 : vector<3072x1024xf32>
    %reduce_min3A_63 = arith.constant dense<0x7F800000> : vector<3072xf32>
    %reduce_min3A_64 = vector.multi_reduction <minimumf>, %add3A_62, %reduce_min3A_63 [1] : vector<3072x1024xf32> to vector<3072xf32>
    %iota3A_65 = tpu.iota {dimensions = array<i32: 1>} : vector<3072x1024xi32>
    %convert_element_type3A_66 = arith.sitofp %iota3A_65 : vector<3072x1024xi32> to vector<3072x1024xf32>
    %broadcast_in_dim3A_67 = vector.shape_cast %reduce_min3A_64 : vector<3072xf32> to vector<3072x1xf32>
    %sub3A_68 = vector.broadcast %broadcast_in_dim3A_67 : vector<3072x1xf32> to vector<3072x1024xf32>
    %sub3A_69 = arith.subf %add3A_62, %sub3A_68 : vector<3072x1024xf32>
    %mul3A_70 = arith.constant 3.000000e+38 : f32
    %mul3A_71 = vector.broadcast %mul3A_70 : f32 to vector<3072x1024xf32>
    %mul3A_72 = arith.mulf %sub3A_69, %mul3A_71 : vector<3072x1024xf32>
    %add3A_73 = arith.addf %mul3A_72, %convert_element_type3A_66 : vector<3072x1024xf32>
    %reduce_min3A_74 = arith.constant dense<0x7F800000> : vector<3072xf32>
    %reduce_min3A_75 = vector.multi_reduction <minimumf>, %add3A_73, %reduce_min3A_74 [1] : vector<3072x1024xf32> to vector<3072xf32>
    %convert_element_type3A_76 = arith.fptosi %reduce_min3A_75 : vector<3072xf32> to vector<3072xi32>
    %swap3A_77 = arith.constant 1 : index
    %swap3A_78 = arith.constant 0 : index
    %swap3A_79 = vector.load %arg3[%swap3A_77, %swap3A_78] : memref<4x3072xi32, #tpu.memory_space<vmem>>, vector<1x3072xi32>
    %swap3A_80 = vector.shape_cast %swap3A_79 : vector<1x3072xi32> to vector<3072xi32>
    %swap3A_81 = vector.shape_cast %convert_element_type3A_76 : vector<3072xi32> to vector<1x3072xi32>
    tpu.vector_store %arg3[%swap3A_77, %swap3A_78], %swap3A_81 {strides = array<i32>} : memref<4x3072xi32, #tpu.memory_space<vmem>>, vector<1x3072xi32>,
    %add3A_82 = arith.constant 1024 : i32
    %add3A_83 = vector.broadcast %add3A_82 : i32 to vector<3072xi32>
    %add3A_84 = arith.addi %convert_element_type3A_76, %add3A_83 : vector<3072xi32>
    %swap3A_85 = arith.constant 1 : index
    %swap3A_86 = arith.constant 0 : index
    %swap3A_87 = vector.load %arg4[%swap3A_85, %swap3A_86] : memref<4x3072xi32, #tpu.memory_space<vmem>>, vector<1x3072xi32>
    %swap3A_88 = vector.shape_cast %swap3A_87 : vector<1x3072xi32> to vector<3072xi32>
    %swap3A_89 = vector.shape_cast %add3A_84 : vector<3072xi32> to vector<1x3072xi32>
    tpu.vector_store %arg4[%swap3A_85, %swap3A_86], %swap3A_89 {strides = array<i32>} : memref<4x3072xi32, #tpu.memory_space<vmem>>, vector<1x3072xi32>,
    %add3A_90 = arith.addf %add3A_41, %reduce_min3A_64 : vector<3072xf32>
    %slice3A_91 = vector.extract_strided_slice %get3A_1 {offsets = [0, 256], sizes = [3072, 128], strides = [1, 1]} : vector<3072x512xf32> to vector<3072x128xf32>
    %get3A_92 = arith.constant 2 : index
    %get3A_93 = arith.constant 0 : index
    %get3A_94 = arith.constant 0 : index
    %get3A_95 = vector.load %arg2[%get3A_92, %get3A_93, %get3A_94] : memref<4x1024x128xf32, #tpu.memory_space<vmem>>, vector<1x1024x128xf32>
    %get3A_96 = vector.shape_cast %get3A_95 : vector<1x1024x128xf32> to vector<1024x128xf32>
    %add3A_97 = arith.addf %get3A_96, %get3A_96 : vector<1024x128xf32>
    %dot_general3A_98 = arith.constant dense<0.000000e+00> : vector<3072x1024xf32>
    %dot_general3A_99 = tpu.matmul %slice3A_91, %add3A_97, %dot_general3A_98 {dimension_numbers = #tpu.dot_dimension_numbers<[1], [1], [0], [0], [0, 0, 1, 0], [], []>, transpose_lhs_hint = false} : vector<3072x128xf32>, vector<1024x128xf32>, vector<3072x1024xf32> -> vector<3072x1024xf32>
    %mul3A_100 = arith.mulf %slice3A_91, %slice3A_91 : vector<3072x128xf32>
    %reduce_sum3A_101 = arith.constant dense<0.000000e+00> : vector<3072xf32>
    %reduce_sum3A_102 = vector.multi_reduction <add>, %mul3A_100, %reduce_sum3A_101 [1] : vector<3072x128xf32> to vector<3072xf32>
    %mul3A_103 = arith.mulf %get3A_96, %get3A_96 : vector<1024x128xf32>
    %reduce_sum3A_104 = arith.constant dense<0.000000e+00> : vector<1024xf32>
    %reduce_sum3A_105 = vector.multi_reduction <add>, %mul3A_103, %reduce_sum3A_104 [1] : vector<1024x128xf32> to vector<1024xf32>
    %broadcast_in_dim3A_106 = vector.shape_cast %reduce_sum3A_102 : vector<3072xf32> to vector<3072x1xf32>
    %sub3A_107 = vector.broadcast %broadcast_in_dim3A_106 : vector<3072x1xf32> to vector<3072x1024xf32>
    %sub3A_108 = arith.subf %sub3A_107, %dot_general3A_99 : vector<3072x1024xf32>
    %broadcast_in_dim3A_109 = vector.shape_cast %reduce_sum3A_105 : vector<1024xf32> to vector<1x1024xf32>
    %add3A_110 = vector.broadcast %broadcast_in_dim3A_109 : vector<1x1024xf32> to vector<3072x1024xf32>
    %add3A_111 = arith.addf %sub3A_108, %add3A_110 : vector<3072x1024xf32>
    %reduce_min3A_112 = arith.constant dense<0x7F800000> : vector<3072xf32>
    %reduce_min3A_113 = vector.multi_reduction <minimumf>, %add3A_111, %reduce_min3A_112 [1] : vector<3072x1024xf32> to vector<3072xf32>
    %iota3A_114 = tpu.iota {dimensions = array<i32: 1>} : vector<3072x1024xi32>
    %convert_element_type3A_115 = arith.sitofp %iota3A_114 : vector<3072x1024xi32> to vector<3072x1024xf32>
    %broadcast_in_dim3A_116 = vector.shape_cast %reduce_min3A_113 : vector<3072xf32> to vector<3072x1xf32>
    %sub3A_117 = vector.broadcast %broadcast_in_dim3A_116 : vector<3072x1xf32> to vector<3072x1024xf32>
    %sub3A_118 = arith.subf %add3A_111, %sub3A_117 : vector<3072x1024xf32>
    %mul3A_119 = arith.constant 3.000000e+38 : f32
    %mul3A_120 = vector.broadcast %mul3A_119 : f32 to vector<3072x1024xf32>
    %mul3A_121 = arith.mulf %sub3A_118, %mul3A_120 : vector<3072x1024xf32>
    %add3A_122 = arith.addf %mul3A_121, %convert_element_type3A_115 : vector<3072x1024xf32>
    %reduce_min3A_123 = arith.constant dense<0x7F800000> : vector<3072xf32>
    %reduce_min3A_124 = vector.multi_reduction <minimumf>, %add3A_122, %reduce_min3A_123 [1] : vector<3072x1024xf32> to vector<3072xf32>
    %convert_element_type3A_125 = arith.fptosi %reduce_min3A_124 : vector<3072xf32> to vector<3072xi32>
    %swap3A_126 = arith.constant 2 : index
    %swap3A_127 = arith.constant 0 : index
    %swap3A_128 = vector.load %arg3[%swap3A_126, %swap3A_127] : memref<4x3072xi32, #tpu.memory_space<vmem>>, vector<1x3072xi32>
    %swap3A_129 = vector.shape_cast %swap3A_128 : vector<1x3072xi32> to vector<3072xi32>
    %swap3A_130 = vector.shape_cast %convert_element_type3A_125 : vector<3072xi32> to vector<1x3072xi32>
    tpu.vector_store %arg3[%swap3A_126, %swap3A_127], %swap3A_130 {strides = array<i32>} : memref<4x3072xi32, #tpu.memory_space<vmem>>, vector<1x3072xi32>,
    %add3A_131 = arith.constant 2048 : i32
    %add3A_132 = vector.broadcast %add3A_131 : i32 to vector<3072xi32>
    %add3A_133 = arith.addi %convert_element_type3A_125, %add3A_132 : vector<3072xi32>
    %swap3A_134 = arith.constant 2 : index
    %swap3A_135 = arith.constant 0 : index
    %swap3A_136 = vector.load %arg4[%swap3A_134, %swap3A_135] : memref<4x3072xi32, #tpu.memory_space<vmem>>, vector<1x3072xi32>
    %swap3A_137 = vector.shape_cast %swap3A_136 : vector<1x3072xi32> to vector<3072xi32>
    %swap3A_138 = vector.shape_cast %add3A_133 : vector<3072xi32> to vector<1x3072xi32>
    tpu.vector_store %arg4[%swap3A_134, %swap3A_135], %swap3A_138 {strides = array<i32>} : memref<4x3072xi32, #tpu.memory_space<vmem>>, vector<1x3072xi32>,
    %add3A_139 = arith.addf %add3A_90, %reduce_min3A_113 : vector<3072xf32>
    %slice3A_140 = vector.extract_strided_slice %get3A_1 {offsets = [0, 384], sizes = [3072, 128], strides = [1, 1]} : vector<3072x512xf32> to vector<3072x128xf32>
    %get3A_141 = arith.constant 3 : index
    %get3A_142 = arith.constant 0 : index
    %get3A_143 = arith.constant 0 : index
    %get3A_144 = vector.load %arg2[%get3A_141, %get3A_142, %get3A_143] : memref<4x1024x128xf32, #tpu.memory_space<vmem>>, vector<1x1024x128xf32>
    %get3A_145 = vector.shape_cast %get3A_144 : vector<1x1024x128xf32> to vector<1024x128xf32>
    %add3A_146 = arith.addf %get3A_145, %get3A_145 : vector<1024x128xf32>
    %dot_general3A_147 = arith.constant dense<0.000000e+00> : vector<3072x1024xf32>
    %dot_general3A_148 = tpu.matmul %slice3A_140, %add3A_146, %dot_general3A_147 {dimension_numbers = #tpu.dot_dimension_numbers<[1], [1], [0], [0], [0, 0, 1, 0], [], []>, transpose_lhs_hint = false} : vector<3072x128xf32>, vector<1024x128xf32>, vector<3072x1024xf32> -> vector<3072x1024xf32>
    %mul3A_149 = arith.mulf %slice3A_140, %slice3A_140 : vector<3072x128xf32>
    %reduce_sum3A_150 = arith.constant dense<0.000000e+00> : vector<3072xf32>
    %reduce_sum3A_151 = vector.multi_reduction <add>, %mul3A_149, %reduce_sum3A_150 [1] : vector<3072x128xf32> to vector<3072xf32>
    %mul3A_152 = arith.mulf %get3A_145, %get3A_145 : vector<1024x128xf32>
    %reduce_sum3A_153 = arith.constant dense<0.000000e+00> : vector<1024xf32>
    %reduce_sum3A_154 = vector.multi_reduction <add>, %mul3A_152, %reduce_sum3A_153 [1] : vector<1024x128xf32> to vector<1024xf32>
    %broadcast_in_dim3A_155 = vector.shape_cast %reduce_sum3A_151 : vector<3072xf32> to vector<3072x1xf32>
    %sub3A_156 = vector.broadcast %broadcast_in_dim3A_155 : vector<3072x1xf32> to vector<3072x1024xf32>
    %sub3A_157 = arith.subf %sub3A_156, %dot_general3A_148 : vector<3072x1024xf32>
    %broadcast_in_dim3A_158 = vector.shape_cast %reduce_sum3A_154 : vector<1024xf32> to vector<1x1024xf32>
    %add3A_159 = vector.broadcast %broadcast_in_dim3A_158 : vector<1x1024xf32> to vector<3072x1024xf32>
    %add3A_160 = arith.addf %sub3A_157, %add3A_159 : vector<3072x1024xf32>
    %reduce_min3A_161 = arith.constant dense<0x7F800000> : vector<3072xf32>
    %reduce_min3A_162 = vector.multi_reduction <minimumf>, %add3A_160, %reduce_min3A_161 [1] : vector<3072x1024xf32> to vector<3072xf32>
    %iota3A_163 = tpu.iota {dimensions = array<i32: 1>} : vector<3072x1024xi32>
    %convert_element_type3A_164 = arith.sitofp %iota3A_163 : vector<3072x1024xi32> to vector<3072x1024xf32>
    %broadcast_in_dim3A_165 = vector.shape_cast %reduce_min3A_162 : vector<3072xf32> to vector<3072x1xf32>
    %sub3A_166 = vector.broadcast %broadcast_in_dim3A_165 : vector<3072x1xf32> to vector<3072x1024xf32>
    %sub3A_167 = arith.subf %add3A_160, %sub3A_166 : vector<3072x1024xf32>
    %mul3A_168 = arith.constant 3.000000e+38 : f32
    %mul3A_169 = vector.broadcast %mul3A_168 : f32 to vector<3072x1024xf32>
    %mul3A_170 = arith.mulf %sub3A_167, %mul3A_169 : vector<3072x1024xf32>
    %add3A_171 = arith.addf %mul3A_170, %convert_element_type3A_164 : vector<3072x1024xf32>
    %reduce_min3A_172 = arith.constant dense<0x7F800000> : vector<3072xf32>
    %reduce_min3A_173 = vector.multi_reduction <minimumf>, %add3A_171, %reduce_min3A_172 [1] : vector<3072x1024xf32> to vector<3072xf32>
    %convert_element_type3A_174 = arith.fptosi %reduce_min3A_173 : vector<3072xf32> to vector<3072xi32>
    %swap3A_175 = arith.constant 3 : index
    %swap3A_176 = arith.constant 0 : index
    %swap3A_177 = vector.load %arg3[%swap3A_175, %swap3A_176] : memref<4x3072xi32, #tpu.memory_space<vmem>>, vector<1x3072xi32>
    %swap3A_178 = vector.shape_cast %swap3A_177 : vector<1x3072xi32> to vector<3072xi32>
    %swap3A_179 = vector.shape_cast %convert_element_type3A_174 : vector<3072xi32> to vector<1x3072xi32>
    tpu.vector_store %arg3[%swap3A_175, %swap3A_176], %swap3A_179 {strides = array<i32>} : memref<4x3072xi32, #tpu.memory_space<vmem>>, vector<1x3072xi32>,
    %add3A_180 = arith.constant 3072 : i32
    %add3A_181 = vector.broadcast %add3A_180 : i32 to vector<3072xi32>
    %add3A_182 = arith.addi %convert_element_type3A_174, %add3A_181 : vector<3072xi32>
    %swap3A_183 = arith.constant 3 : index
    %swap3A_184 = arith.constant 0 : index
    %swap3A_185 = vector.load %arg4[%swap3A_183, %swap3A_184] : memref<4x3072xi32, #tpu.memory_space<vmem>>, vector<1x3072xi32>
    %swap3A_186 = vector.shape_cast %swap3A_185 : vector<1x3072xi32> to vector<3072xi32>
    %swap3A_187 = vector.shape_cast %add3A_182 : vector<3072xi32> to vector<1x3072xi32>
    tpu.vector_store %arg4[%swap3A_183, %swap3A_184], %swap3A_187 {strides = array<i32>} : memref<4x3072xi32, #tpu.memory_space<vmem>>, vector<1x3072xi32>,
    %add3A_188 = arith.addf %add3A_139, %reduce_min3A_162 : vector<3072xf32>
    %mul3A_189 = arith.constant 0.001953125 : f32
    %mul3A_190 = vector.broadcast %mul3A_189 : f32 to vector<3072xf32>
    %mul3A_191 = arith.mulf %add3A_188, %mul3A_190 : vector<3072xf32>
    %swap3A_192 = arith.constant 0 : index
    %swap3A_193 = arith.constant 0 : index
    %swap3A_194 = vector.load %arg5[%swap3A_192, %swap3A_193] : memref<1x3072xf32, #tpu.memory_space<vmem>>, vector<1x3072xf32>
    %swap3A_195 = vector.shape_cast %swap3A_194 : vector<1x3072xf32> to vector<3072xf32>
    %swap3A_196 = vector.shape_cast %mul3A_191 : vector<3072xf32> to vector<1x3072xf32>
    tpu.vector_store %arg5[%swap3A_192, %swap3A_193], %swap3A_196 {strides = array<i32>} : memref<1x3072xf32, #tpu.memory_space<vmem>>, vector<1x3072xf32>,
    return
  }
  func.func @transform_0(%arg0: i32) -> (i32, i32) {
    %c0_i32 = arith.constant 0 : i32
    %c0_i32_0 = arith.constant 0 : i32
    return %arg0, %c0_i32 : i32, i32
  }
  func.func @transform_1(%arg0: i32) -> (i32, i32, i32) {
    %c0_i32 = arith.constant 0 : i32
    %c0_i32_0 = arith.constant 0 : i32
    %c0_i32_1 = arith.constant 0 : i32
    %c0_i32_2 = arith.constant 0 : i32
    return %c0_i32, %c0_i32_0, %c0_i32_1 : i32, i32, i32
  }
  func.func @transform_2(%arg0: i32) -> (i32, i32) {
    %c0_i32 = arith.constant 0 : i32
    %c0_i32_0 = arith.constant 0 : i32
    return %c0_i32, %arg0 : i32, i32
  }
  func.func @transform_3(%arg0: i32) -> (i32, i32) {
    %c0_i32 = arith.constant 0 : i32
    %c0_i32_0 = arith.constant 0 : i32
    return %c0_i32, %arg0 : i32, i32
  }
  func.func @transform_4(%arg0: i32) -> (i32, i32) {
    %c0_i32 = arith.constant 0 : i32
    %c0_i32_0 = arith.constant 0 : i32
    return %c0_i32, %arg0 : i32, i32
  }
}

</mosaic_0001>

<sc_bundles>
// kernel: kernel.4.cloned.1.call-start
scs
__scs_entry_jumppad:
0x0: {  	(pc) =	sbr.rel $0x88, $3  }
0x1: {  	(tag) =	ssettag $0x0;
	lr =	simm.s32 $0x1  }
0x2: {  	[smem:$0x3F9F] =	sst lr;
	_ =	strace $0xD0000000  }
0x3: {  	_ = 	snop  }
0x4: {  	_ = 	snop  }
0x5: {  	_ = 	snop  }
0x6: {  	_ = 	snop  }
0x7: {  	_ = 	snop  }
__scs_overlays_trampoline_lowered:
0x8: {  	[smem:$0x3FAE] =	sst s0  }
0x9: {  	[smem:$0x3FAF] =	sst s1  }
0xa: {  	[smem:$0x3FB0] =	sst s2  }
0xb: {  	[smem:$0x3FB1] =	sst s3  }
0xc: {  	[smem:$0x3FB2] =	sst s4  }
0xd: {  	[smem:$0x3FB3] =	sst s5  }
0xe: {  	[smem:$0x3FB4] =	sst s6  }
0xf: {  	[smem:$0x3FB5] =	sst s7  }
0x10: {  	[smem:$0x3FB6] =	sst s8  }
0x11: {  	[smem:$0x3FB7] =	sst s9;
	s0 =	simm.s32 @!p0 $0x0  }
0x12: {  	s1 =	sld [smem:$0x3F9D];
	s0 =	simm.s32 @p0 $0x1  }
0x13: {  	[smem:$0x3FB8] =	sst s0;
	s0 =	simm.s32 @!p1 $0x0  }
0x14: {  	s2 =	sld [smem:$0x3F9C];
	s0 =	simm.s32 @p1 $0x1  }
0x15: {  	[smem:$0x3FB9] =	sst s0;
	s0 =	simm.s32 @!p2 $0x0  }
0x16: {  	s3 =	sld [smem:$0x3FDB];
	s0 =	simm.s32 @p2 $0x1  }
0x17: {  	s4 =	simm.s32 $0x1BF5;
	[smem:$0x3FBB] =	sst s0  }
0x18: {  	s0 =	sld [smem:$0x3F9E];
	_ =	swait.ge [sflag:s4], $0x0  }
0x19: {  	s7 =	sld [smem:$0x3F9F]  }
0x1a: {  	s8 =	sadd.s32 $0xFFFFE003, lr  }
0x1b: {  	s9 =	sadd.s32 $0xFFFFFEF7, lr;
	s5 =	simm.s32 $0xFFFFFFFF;
	p2 =	slt.u32 s8, $0xFFFFF086  }
0x1c: {  	p1 =	slt.u32 s9, $0xF7A;
	s5 =	simm.s32 @!p2 $0x0  }
0x1d: {  	s5 =	simm.s32 @p1 $0x1;
	p0 =	seq.s32 s7, s2  }
0x1e: {  	s7 =	smul.u32 @!p0 $0xF7A, s2;
	p2 =	seq.s32 @!p0 s5, $0x0  }
0x1f: {  	s9 =	smul.u32 $0xF7A, s1;
	s8 =	simm.s32 @!p0 $0x1BF5;
	p2 =	por !p2, p0  }
0x20: {  	[sflag:s8] =	ssyncset.s32 @!p0 $0xFFFFF086;
	s6 =	sadd.s32 @!p0 s3, s7;
	s7 =	simm.s32 @!p0 $0x108  }
0x21: {  	s3 =	sadd.s32 s3, s9;
	s6 =	sadd.s32 @!p0 $0x88, s6;
	s7 =	simm.s32 @p2 $0x1082  }
0x22: {  	[simem:s7], [sflag:s8] =	dma.local @!p0 [hbm:s6], $0xF7A  }
0x23: {  	s9 =	sor.u32 $0xD0000000, s2;
	s6 =	simm.s32 $0x108;
	_ =	swait.ge @!p0 [sflag:s8], $0x0  }
0x24: {  	s3 =	sadd.s32 $0x88, s3;
	s6 =	simm.s32 @!p1 $0x1082;
	[sflag:s4] =	ssyncset.s32 $0xFFFFF086  }
0x25: {  	[simem:s6], [sflag:s4] =	dma.local [hbm:s3], $0xF7A  }
0x26: {  	[smem:$0x3F9F] =	sst s1;
	(tag) =	ssettag s2;
	_ =	strace s9  }
0x27: {  	s1 =	sld [smem:$0x3FAF]  }
0x28: {  	s2 =	sld [smem:$0x3FB0]  }
0x29: {  	s4 =	sld [smem:$0x3FB2]  }
0x2a: {  	p0 =	seq.s32 s5, $0x0;
	s5 =	sld [smem:$0x3FB3]  }
0x2b: {  	s6 =	sld [smem:$0x3FB4]  }
0x2c: {  	s7 =	sld [smem:$0x3FB5]  }
0x2d: {  	s3 =	simm.s32 $0x108;
	s8 =	sld [smem:$0x3FB6]  }
0x2e: {  	s3 =	simm.s32 @!p0 $0x1082;
	s9 =	sld [smem:$0x3FB7]  }
0x2f: {  	lr =	sadd.s32 s0, s3;
	s0 =	sld [smem:$0x3FAE]  }
0x30: {  	s3 =	sld [smem:$0x3FB1]  }
0x31: {  	[smem:$0x3FBA] =	sst s10  }
0x32: {  	s10 =	sld [smem:$0x3FB8];
	_ =	sdelay $0x3  }
0x33: {  	p0 =	seq.s32 s10, $0x1;
	s10 =	sld [smem:$0x3FBA];
	_ =	sdelay $0x3  }
0x34: {  	[smem:$0x3FBA] =	sst s10  }
0x35: {  	s10 =	sld [smem:$0x3FB9];
	_ =	sdelay $0x3  }
0x36: {  	p1 =	seq.s32 s10, $0x1;
	s10 =	sld [smem:$0x3FBA];
	_ =	sdelay $0x3  }
0x37: {  	[smem:$0x3FBA] =	sst s10  }
0x38: {  	s10 =	sld [smem:$0x3FBB]  }
0x39: {  	_ = 	snop;
	(pc) =	sbr.ind lr, $3  }
0x3a: {  	_ = 	snop  }
0x3b: {  	_ = 	snop  }
0x3c: {  	p2 =	seq.s32 s10, $0x1;
	s10 =	sld [smem:$0x3FBA]  }
0x3d: {  	_ =	shalt  }
0x3e: {  	_ =	shalt  }
0x3f: {  	_ =	shalt  }
0x40: {  	_ =	shalt  }
0x41: {  	_ =	shalt  }
0x42: {  	_ =	shalt  }
0x43: {  	_ =	shalt  }
0x44: {  	_ =	shalt  }
0x45: {  	_ =	shalt  }
0x46: {  	_ =	shalt  }
0x47: {  	_ =	shalt  }
0x48: {  	_ =	shalt  }
0x49: {  	_ =	shalt  }
0x4a: {  	_ =	shalt  }
0x4b: {  	_ =	shalt  }
0x4c: {  	_ =	shalt  }
0x4d: {  	_ =	shalt  }
0x4e: {  	_ =	shalt  }
0x4f: {  	_ =	shalt  }
0x50: {  	_ =	shalt  }
0x51: {  	_ =	shalt  }
0x52: {  	_ =	shalt  }
0x53: {  	_ =	shalt  }
0x54: {  	_ =	shalt  }
0x55: {  	_ =	shalt  }
0x56: {  	_ =	shalt  }
0x57: {  	_ =	shalt  }
0x58: {  	_ =	shalt  }
0x59: {  	_ =	shalt  }
0x5a: {  	_ =	shalt  }
0x5b: {  	_ =	shalt  }
0x5c: {  	_ =	shalt  }
0x5d: {  	_ =	shalt  }
0x5e: {  	_ =	shalt  }
0x5f: {  	_ =	shalt  }
0x60: {  	_ =	shalt  }
0x61: {  	_ =	shalt  }
0x62: {  	_ =	shalt  }
0x63: {  	_ =	shalt  }
0x64: {  	_ =	shalt  }
0x65: {  	_ =	shalt  }
0x66: {  	_ =	shalt  }
0x67: {  	_ =	shalt  }
0x68: {  	_ =	shalt  }
0x69: {  	_ =	shalt  }
0x6a: {  	_ =	shalt  }
0x6b: {  	_ =	shalt  }
0x6c: {  	_ =	shalt  }
0x6d: {  	_ =	shalt  }
0x6e: {  	_ =	shalt  }
0x6f: {  	_ =	shalt  }
0x70: {  	_ =	shalt  }
0x71: {  	_ =	shalt  }
0x72: {  	_ =	shalt  }
0x73: {  	_ =	shalt  }
0x74: {  	_ =	shalt  }
0x75: {  	_ =	shalt  }
0x76: {  	_ =	shalt  }
0x77: {  	_ =	shalt  }
0x78: {  	_ =	shalt  }
0x79: {  	_ =	shalt  }
0x7a: {  	_ =	shalt  }
0x7b: {  	_ =	shalt  }
0x7c: {  	_ =	shalt  }
0x7d: {  	_ =	shalt  }
0x7e: {  	_ =	shalt  }
0x7f: {  	_ =	shalt  }
0x80: {  	_ =	shalt  }
0x81: {  	_ =	shalt  }
0x82: {  	_ =	shalt  }
0x83: {  	_ =	shalt  }
0x84: {  	_ =	shalt  }
0x85: {  	_ =	shalt  }
0x86: {  	_ =	shalt  }
0x87: {  	_ =	shalt  }
.Lfunc_end0:
.L_simem_size_0:
called_computation_lowered:
.L_overlay_start_0:
0x88: {  	s2 =	sld [smem:$0x3FD9]  }
0x89: {  	s3 =	sld [smem:$0x3FFE];
	_ =	sdelay $0x1  }
0x8a: {  	s1 =	srdreg.scid  }
0x8b: {  	s0 =	sand.u32 $0x1, s1  }
0x8c: {  	s14 =	sshll.u32 s0, $0xA;
	s2 =	sadd.s32 s3, s2  }
0x8d: {  	s2 =	sadd.s32 s2, s14  }
0x8e: {  	[smem:$0x3FC6] =	sst s2  }
0x8f: {  	_ = 	snop  }
0x90: {  	s2 =	sld [smem:$0x3FD0];
	_ =	sdelay $0x2  }
0x91: {  	s4 =	simm.s32 $0xA;
	s5 =	simm.s32 $0x10;
	s15 =	sld [smem:$0x3FC8]  }
0x92: {  	[smem:s5], [sflag:s4] =	dma.local [hbm:s2], $0x1  }
0x93: {  	_ =	swait.eq [sflag:s4], $0x1  }
0x94: {  	[sflag:s4] =	ssyncset.done $0x0  }
0x95: {  	[sflag:s4] =	ssyncadd.s32 $0xFFFFFFFF  }
0x96: {  	s16 =	sld [smem:$0x13];
	(tm) =	ssettm $0x1  }
0x97: {  	s17 =	sld [smem:$0x3FFB];
	_ =	sdelay $0x3  }
0x98: {  	_ =	strace s17  }
0x99: {  	s4 =	sld [smem:$0x3FFC];
	_ =	sdelay $0x3  }
0x9a: {  	_ =	strace s4  }
0x9b: {  	s4 =	sld [smem:$0x3FFD];
	_ =	sdelay $0x3  }
0x9c: {  	_ =	strace s4  }
0x9d: {  	_ =	strace $0x8FFFFFFF  }
0x9e: {  	s18 =	sld [smem:$0x3FDB];
	_ =	sdelay $0x1  }
0x9f: {  	s19 =	simm.s32 $_scs_section_size  }
0xa0: {  	s6 =	simm.s32 $_size__tile_overlayer_lowered;
	s7 =	simm.s32 $_tile_overlayer_lowered  }
0xa1: {  	s22 =	simm.s32 $0x1BFF;
	s21 =	sshll.u32 s7, $0x1;
	s4 =	sadd.s32 s19, s18  }
0xa2: {  	s8 =	simm.s32 $0x0;
	s20 =	sshll.u32 s6, $0x1;
	s6 =	sadd.s32 s21, s4  }
0xa3: {  	[timem:s8], [sflag:s22] =	dma.local [hbm:s6], s20  }
0xa4: {  	_ =	swait.ge [sflag:s22], s20  }
0xa5: {  	s5 =	ssub.s32 $0x0, s20;
	[sflag:s22] =	ssyncset.done $0x0  }
0xa6: {  	[sflag:s22] =	ssyncadd.s32 s5;
	_ =	sdelay $0x1  }
0xa7: {  	s23 =	simm.s32 $0x1B8B  }
0xa8: {  	_ =	swait.ge [sflag:s23], $0x1  }
0xa9: {  	[sflag:s23] =	ssyncset.done $0x0  }
0xaa: {  	s25 =	simm.s32 $0x1B8E;
	s24 =	sld [smem:$0x3FFE];
	[sflag:s23] =	ssyncadd.s32 $0xFFFFFFFF  }
0xab: {  	s26 =	simm.s32 $execute0_lowered;
	[smem:$0x3FD2] =	sst s25  }
0xac: {  	s6 =	sshll.u32 s26, $0x1;
	_ =	strace $0x80000046;
	[dreg:$0x1] =	wrdreg $0xFFFFFFFF  }
0xad: {  	s28 =	simm.s32 $_size_execute0_lowered;
	s4 =	sadd.s32 s4, s6;
	[dreg:$0x0] =	wrdreg $0x0  }
0xae: {  	s6 =	sshll.u32 s28, $0x1;
	[dreg:$0x2] =	wrdreg s4  }
0xaf: {  	[dreg:$0x3] =	wrdreg s6  }
0xb0: {  	[dreg:$0x4] =	wrdreg $0xC0  }
0xb1: {  	_ =	task [dreg:s8], $0x5FFFF  }
0xb2: {  	[dreg:$0x1] =	wrdreg $0xFFFFFFFF  }
0xb3: {  	[dreg:$0x0] =	wrdreg $0x60  }
0xb4: {  	[dreg:$0x2] =	wrdreg s15  }
0xb5: {  	[dreg:$0x3] =	wrdreg s16  }
0xb6: {  	[dreg:$0x4] =	wrdreg s24  }
0xb7: {  	[dreg:$0x5] =	wrdreg $0x9  }
0xb8: {  	_ =	task.clear_ibuf [dreg:s8], $0x6FFFF;
	_ =	strace $0x90000046  }
0xb9: {  	s29 =	simm.s32 $0x9;
	_ =	strace $0x80000048  }
0xba: {  	_ =	swait.ge [sflag:s29], $0x1  }
0xbb: {  	[sflag:s29] =	ssyncadd.s32 $0xFFFFFFFF  }
0xbc: {  	_ =	strace $0x90000048  }
0xbd: {  	_ =	sfence  }
0xbe: {  	s30 =	sld [smem:$0x0];
	_ =	sdelay $0x2  }
0xbf: {  	s31 =	sshll.u32 s1, $0xD;
	s1 =	sshrl.u32 s1, $0x2  }
0xc0: {  	s3 =	sand.u32 $0x4000, s31;
	s1 =	sadd.s32 s1, s30  }
0xc1: {  	s0 =	sor.u32 s3, s0;
	s1 =	sshll.u32 s1, $0x11  }
0xc2: {  	s0 =	sor.u32 s1, s0  }
0xc3: {  	s0 =	sadd.s32 $0x8F2B, s0  }
0xc4: {  	[sflag:s0] =	ssyncadd.remote.s32 $0x1  }
0xc5: {  	_ =	sfence.sel $0xFFFF  }
0xc6: {  	[dreg:$0x0] =	wrdreg $0xFFFFFFFF;
	(pc) =	sbr.abs _section_cstart, $3  }
0xc7: {  	[dreg:$0x1] =	wrdreg $0xFFFFFFFF  }
0xc8: {  	_ =	task.clear_ibuf [dreg:s8], $0x2FFFF;
	_ =	strace $0x9FFFFFFF  }
0xc9: {  	(tm) =	ssettm $0x7FFFFFFF  }
tec
execute0_lowered:
.L_overlay_start_1:
0x0: {  	(tag) =	ssettag $0x1  }
0x1: {  	s1 =	srdreg.scid;
	s0 =	stileid.u32  }
0x2: {  	s2 =	rddreg [dreg:$0x0];
	s22 =	sand.u32 $0x1, s1;
	s30 =	sshll.u32 s0, $0x1  }
0x3: {  	s4 =	rddreg [dreg:$0x1];
	s14 =	sor.u32 s22, s30  }
0x4: {  	s16 =	rddreg [dreg:$0x2];
	s5 =	smul.u32 $0x120, s14  }
0x5: {  	s3 =	simm.s32 $0x0;
	s1 =	rddreg [dreg:$0x3]  }
0x6: {  	[smem:$0x7FF] =	sst s3;
	s5 =	sshrl.u32 s5, $0x3  }
0x7: {  	_ =	strace $0x80000047;
	s5 =	sadd.s32 s4, s5;
	s4 =	simm.s32 $0x3  }
0x8: {  	[tilespmem:s3], [sflag:$0x3] =	stream.linear.gather [hbm4b:s5+s3], $0x120, $0x38;
	[tilespmem:$0x12600] =	vst v63  }
0x9: {  	_ =	swait.ge [sflag:s4], $0x120  }
0xa: {  	[sflag:s4] =	ssyncset.done $0x0  }
0xb: {  	s7 =	simm.s32 $0x180;
	s6 =	sadd.s32 $0x480, s5;
	[sflag:s4] =	ssyncadd.s32 $0xFFFFFEE0  }
0xc: {  	[tilespmem:s7], [sflag:$0x3] =	stream.linear.gather [hbm4b:s6+s3], $0x120, $0x38;
	[tilespmem:$0x12600] =	vst v63  }
0xd: {  	_ =	swait.ge [sflag:s4], $0x120  }
0xe: {  	[sflag:s4] =	ssyncset.done $0x0  }
0xf: {  	s9 =	simm.s32 $0x300;
	s8 =	sadd.s32 $0x900, s5;
	[sflag:s4] =	ssyncadd.s32 $0xFFFFFEE0  }
0x10: {  	[tilespmem:s9], [sflag:$0x3] =	stream.linear.gather [hbm4b:s8+s3], $0x120, $0x38;
	[tilespmem:$0x12600] =	vst v63  }
0x11: {  	_ =	swait.ge [sflag:s4], $0x120  }
0x12: {  	[sflag:s4] =	ssyncset.done $0x0  }
0x13: {  	s11 =	simm.s32 $0x480;
	s10 =	sadd.s32 $0xD80, s5;
	[sflag:s4] =	ssyncadd.s32 $0xFFFFFEE0  }
0x14: {  	[tilespmem:s11], [sflag:$0x3] =	stream.linear.gather [hbm4b:s10+s3], $0x120, $0x38;
	[tilespmem:$0x12600] =	vst v63  }
0x15: {  	_ =	swait.ge [sflag:s4], $0x120  }
0x16: {  	[sflag:s4] =	ssyncset.done $0x0  }
0x17: {  	s12 =	simm.s32 $0x120;
	s13 =	simm.s32 $0x600;
	[sflag:s4] =	ssyncadd.s32 $0xFFFFFEE0  }
0x18: {  	[tilespmem:s13], [sflag:$0x1] =	stream.indirect.gather [hbm4b:s2+s12], $0x80, s3, s12, $0xb8;
	[tilespmem:$0x12600] =	vst v63  }
0x19: {  	s15 =	simm.s32 $0x1;
	s17 =	smul.u32 $0x4800, s14;
	s14 =	simm.s32 $0x9600  }
0x1a: {  	[tilespmem:s14], [sflag:$0x2] =	stream.indirect.gather [hbm4b:s2+s12], $0x80, s7, s12, $0xb8;
	[tilespmem:$0x12600] =	vst v63  }
0x1b: {  	_ =	swait.ge [sflag:s15], $0x9000  }
0x1c: {  	s18 =	simm.s32 $0x200;
	s23 =	sadd.s32 s17, s16;
	[sflag:s15] =	ssyncset.done $0x0  }
0x1d: {  	s17 =	simm.s32 $0x80;
	s16 =	sadd.s32 $0x800, s23;
	[sflag:s15] =	ssyncadd.s32 $0xFFFF7000  }
0x1e: {  	[hbm4b:s16+s17] =	stream.strided.scatter [tilespmem:s13], [sflag:$0x3], $0x9000, s18, s17, $0x38;
	[tilespmem:$0x12600] =	vst v63  }
0x1f: {  	_ =	swait.ge [sflag:s4], $0x9000  }
0x20: {  	[sflag:s4] =	ssyncset.done $0x0  }
0x21: {  	s19 =	simm.s32 $0x2;
	[sflag:s4] =	ssyncadd.s32 $0xFFFF7000  }
0x22: {  	[tilespmem:s13], [sflag:$0x1] =	stream.indirect.gather [hbm4b:s2+s12], $0x80, s9, s12, $0xb8;
	[tilespmem:$0x12600] =	vst v63  }
0x23: {  	_ =	swait.ge [sflag:s19], $0x9000  }
0x24: {  	[sflag:s19] =	ssyncset.done $0x0  }
0x25: {  	s20 =	sadd.s32 $0x810, s23;
	[sflag:s19] =	ssyncadd.s32 $0xFFFF7000  }
0x26: {  	[hbm4b:s20+s17] =	stream.strided.scatter [tilespmem:s14], [sflag:$0x3], $0x9000, s18, s17, $0x38;
	[tilespmem:$0x12600] =	vst v63  }
0x27: {  	_ =	swait.ge [sflag:s4], $0x9000  }
0x28: {  	[sflag:s4] =	ssyncset.done $0x0  }
0x29: {  	[sflag:s4] =	ssyncadd.s32 $0xFFFF7000  }
0x2a: {  	[tilespmem:s14], [sflag:$0x2] =	stream.indirect.gather [hbm4b:s2+s12], $0x80, s11, s12, $0xb8;
	[tilespmem:$0x12600] =	vst v63  }
0x2b: {  	_ =	swait.ge [sflag:s15], $0x9000  }
0x2c: {  	[sflag:s15] =	ssyncset.done $0x0  }
0x2d: {  	s22 =	ssub.s32 $0x2, s22;
	s21 =	sadd.s32 $0x820, s23;
	[sflag:s15] =	ssyncadd.s32 $0xFFFF7000  }
0x2e: {  	[hbm4b:s21+s17] =	stream.strided.scatter [tilespmem:s13], [sflag:$0x3], $0x9000, s18, s17, $0x38;
	[tilespmem:$0x12600] =	vst v63  }
0x2f: {  	s24 =	sshrl.u32 s22, $0x1;
	_ =	swait.ge [sflag:s4], $0x9000  }
0x30: {  	s24 =	ssub.s32 s22, s24;
	[sflag:s4] =	ssyncset.done $0x0  }
0x31: {  	s31 =	smax.u32 s24, $0x1;
	[sflag:s4] =	ssyncadd.s32 $0xFFFF7000  }
0x32: {  	p0 =	sne.s32 s31, $0x1;
	_ =	swait.ge [sflag:s19], $0x9000  }
.Ltmp0:
0x33: {  	[sflag:s19] =	ssyncset.done $0x0;
	(pc) =	sbr.rel @!p0 .LBB2_2-.Ltmp0, $4  }
0x34: {  	s22 =	sadd.s32 $0x830, s23;
	[sflag:s19] =	ssyncadd.s32 $0xFFFF7000  }
0x35: {  	[hbm4b:s22+s17] =	stream.strided.scatter [tilespmem:s14], [sflag:$0x3], $0x9000, s18, s17, $0x38;
	[tilespmem:$0x12600] =	vst v63  }
0x36: {  	_ =	swait.ge [sflag:s4], $0x9000  }
0x37: {  	s23 =	sadd.s32 $0xFFFFFFFF, s31;
	[sflag:s4] =	ssyncset.done $0x0  }
.LBB2_1:
0x38: {  	p0 =	sne.s32 s23, $0x1;
	s23 =	sadd.s32 $0xFFFFFFFF, s23;
	[sflag:s4] =	ssyncadd.s32 $0xFFFF7000  }
0x39: {  	[tilespmem:s3], [sflag:$0x3] =	stream.linear.gather [hbm4b:s5+s3], $0x120, $0x38;
	[tilespmem:$0x12600] =	vst v63  }
0x3a: {  	_ =	swait.ge [sflag:s4], $0x120  }
0x3b: {  	[sflag:s4] =	ssyncset.done $0x0  }
0x3c: {  	[sflag:s4] =	ssyncadd.s32 $0xFFFFFEE0  }
0x3d: {  	[tilespmem:s7], [sflag:$0x3] =	stream.linear.gather [hbm4b:s6+s3], $0x120, $0x38;
	[tilespmem:$0x12600] =	vst v63  }
0x3e: {  	_ =	swait.ge [sflag:s4], $0x120  }
0x3f: {  	[sflag:s4] =	ssyncset.done $0x0  }
0x40: {  	[sflag:s4] =	ssyncadd.s32 $0xFFFFFEE0  }
0x41: {  	[tilespmem:s9], [sflag:$0x3] =	stream.linear.gather [hbm4b:s8+s3], $0x120, $0x38;
	[tilespmem:$0x12600] =	vst v63  }
0x42: {  	_ =	swait.ge [sflag:s4], $0x120  }
0x43: {  	[sflag:s4] =	ssyncset.done $0x0  }
0x44: {  	[sflag:s4] =	ssyncadd.s32 $0xFFFFFEE0  }
0x45: {  	[tilespmem:s11], [sflag:$0x3] =	stream.linear.gather [hbm4b:s10+s3], $0x120, $0x38;
	[tilespmem:$0x12600] =	vst v63  }
0x46: {  	_ =	swait.ge [sflag:s4], $0x120  }
0x47: {  	[sflag:s4] =	ssyncset.done $0x0  }
0x48: {  	[sflag:s4] =	ssyncadd.s32 $0xFFFFFEE0  }
0x49: {  	[tilespmem:s13], [sflag:$0x1] =	stream.indirect.gather [hbm4b:s2+s12], $0x80, s3, s12, $0xb8;
	[tilespmem:$0x12600] =	vst v63  }
0x4a: {  	_ = 	snop  }
0x4b: {  	[tilespmem:s14], [sflag:$0x2] =	stream.indirect.gather [hbm4b:s2+s12], $0x80, s7, s12, $0xb8;
	[tilespmem:$0x12600] =	vst v63  }
0x4c: {  	_ =	swait.ge [sflag:s15], $0x9000  }
0x4d: {  	[sflag:s15] =	ssyncset.done $0x0  }
0x4e: {  	[sflag:s15] =	ssyncadd.s32 $0xFFFF7000  }
0x4f: {  	[hbm4b:s16+s17] =	stream.strided.scatter [tilespmem:s13], [sflag:$0x3], $0x9000, s18, s17, $0x38;
	[tilespmem:$0x12600] =	vst v63  }
0x50: {  	_ =	swait.ge [sflag:s4], $0x9000  }
0x51: {  	[sflag:s4] =	ssyncset.done $0x0  }
0x52: {  	[sflag:s4] =	ssyncadd.s32 $0xFFFF7000  }
0x53: {  	[tilespmem:s13], [sflag:$0x1] =	stream.indirect.gather [hbm4b:s2+s12], $0x80, s9, s12, $0xb8;
	[tilespmem:$0x12600] =	vst v63  }
0x54: {  	_ =	swait.ge [sflag:s19], $0x9000  }
0x55: {  	[sflag:s19] =	ssyncset.done $0x0  }
0x56: {  	[sflag:s19] =	ssyncadd.s32 $0xFFFF7000  }
0x57: {  	[hbm4b:s20+s17] =	stream.strided.scatter [tilespmem:s14], [sflag:$0x3], $0x9000, s18, s17, $0x38;
	[tilespmem:$0x12600] =	vst v63  }
0x58: {  	_ =	swait.ge [sflag:s4], $0x9000  }
0x59: {  	[sflag:s4] =	ssyncset.done $0x0  }
0x5a: {  	[sflag:s4] =	ssyncadd.s32 $0xFFFF7000  }
0x5b: {  	[tilespmem:s14], [sflag:$0x2] =	stream.indirect.gather [hbm4b:s2+s12], $0x80, s11, s12, $0xb8;
	[tilespmem:$0x12600] =	vst v63  }
0x5c: {  	_ =	swait.ge [sflag:s15], $0x9000  }
0x5d: {  	[sflag:s15] =	ssyncset.done $0x0  }
0x5e: {  	[sflag:s15] =	ssyncadd.s32 $0xFFFF7000  }
0x5f: {  	[hbm4b:s21+s17] =	stream.strided.scatter [tilespmem:s13], [sflag:$0x3], $0x9000, s18, s17, $0x38;
	[tilespmem:$0x12600] =	vst v63  }
0x60: {  	_ =	swait.ge [sflag:s4], $0x9000  }
0x61: {  	[sflag:s4] =	ssyncset.done $0x0  }
0x62: {  	[sflag:s4] =	ssyncadd.s32 $0xFFFF7000  }
0x63: {  	_ =	swait.ge [sflag:s19], $0x9000  }
.Ltmp1:
0x64: {  	[sflag:s19] =	ssyncset.done $0x0;
	(pc) =	sbr.rel @p0 .LBB2_1-.Ltmp1, $4  }
0x65: {  	[sflag:s19] =	ssyncadd.s32 $0xFFFF7000  }
0x66: {  	[hbm4b:s22+s17] =	stream.strided.scatter [tilespmem:s14], [sflag:$0x3], $0x9000, s18, s17, $0x38;
	[tilespmem:$0x12600] =	vst v63  }
0x67: {  	_ =	swait.ge [sflag:s4], $0x9000  }
0x68: {  	[sflag:s4] =	ssyncset.done $0x0  }
.LBB2_2:
0x69: {  	[sflag:s4] =	ssyncadd.s32 $0xFFFF7000  }
0x6a: {  	_ =	sfence.sel $0x180000  }
0x6b: {  	[bflag:$0x0] =	sbarrier.arrive $0xFFFF  }
0x6c: {  	p0 =	sne.s32 s0, $0x0;
	_ =	strace $0x90000047  }
0x6d: {  	s0 =	sadd.s32 @!p0 $0x100000, s1;
	[bflag:$0x2] =	sbarrier.arrive $0xFFFF  }
0x6e: {  	[sflag:s0] =	ssyncadd.tile.s32 @!p0 $0x1;
	_ =	shalt  }
.Lfunc_end2:
_tile_overlayer_lowered:
.L_overlay_start_2:
0x6f: {  	(tag) =	ssettag $0x2  }
0x70: {  	s0 =	rddreg [dreg:$0x0];
	s2 =	stileid.u32  }
0x71: {  	s1 =	rddreg [dreg:$0x1];
	p0 =	sne.s32 s2, $0x0  }
0x72: {  	s3 =	rddreg [dreg:$0x2];
	[bflag:$0x3] =	sbarrier.arrive $0xFFFF;
	s2 =	simm.s32 @!p0 $0x1C03  }
0x73: {  	[timem:s3], [sflag:s2] =	dma.local @!p0 [hbm:s0], s1  }
0x74: {  	s0 =	simm.s32 @!p0 $0x3  }
0x75: {  	_ =	swait.ge @!p0 [sflag:s0], s1  }
0x76: {  	s1 =	ssub.s32 @!p0 $0x0, s1;
	[sflag:s0] =	ssyncset.done @!p0 $0x0  }
0x77: {  	[sflag:s0] =	ssyncadd.s32 @!p0 s1  }
0x78: {  	[bflag:$0x3] =	sbarrier.arrive $0xFFFF  }
0x79: {  	_ =	shalt  }

</sc_bundles>
